<compile_context>
chip_gen: v7x
topology: tpu7x:2x2x1
jax: 0.10.2.dev20260603
libtpu: 0.0.44.dev20260713+nightly
codegen_flags: <defaults>
</compile_context>

<pallas_src>
import jax
import jax.numpy as jnp
from jax.experimental import pallas as pl
from jax.experimental.pallas import tpu as pltpu

_M = 64
_K = 8
_B = 4096
_D = 2048
_BR = 512
_NBLK = _B // _BR


def _router_kernel(param_ref, x_ref, t_ref, wx_ref, wt_ref,
                   gates_ref, loss_ref, imp_ref, load_ref):
    i = pl.program_id(0)
    alpha = jax.nn.sigmoid(param_ref[0, 0])
    beta = 1.0 - alpha

    lx = jnp.dot(x_ref[...], wx_ref[...], preferred_element_type=jnp.float32)
    lt = jnp.dot(t_ref[...], wt_ref[...], preferred_element_type=jnp.float32)
    logits = alpha * lx + beta * lt

    iota = jax.lax.broadcasted_iota(jnp.int32, (_BR, _M), 1)
    vals = logits
    mask = jnp.zeros((_BR, _M), dtype=jnp.bool_)
    neg = jnp.float32(-jnp.inf)
    row_max = None
    for k in range(_K):
        m = jnp.max(vals, axis=1, keepdims=True)
        if k == 0:
            row_max = m
        is_max = vals == m
        first = jnp.min(jnp.where(is_max, iota, _M), axis=1, keepdims=True)
        onehot = iota == first
        mask = jnp.logical_or(mask, onehot)
        vals = jnp.where(onehot, neg, vals)

    e = jnp.where(mask, jnp.exp(logits - row_max), 0.0)
    gates = e / jnp.sum(e, axis=1, keepdims=True)
    gates_ref[...] = gates

    imp_part = jnp.sum(gates, axis=0, keepdims=True)
    load_part = jnp.sum((gates > 0.0).astype(jnp.float32), axis=0,
                        keepdims=True)

    @pl.when(i == 0)
    def _init():
        imp_ref[...] = imp_part
        load_ref[...] = load_part

    @pl.when(i > 0)
    def _acc():
        imp_ref[...] += imp_part
        load_ref[...] += load_part

    @pl.when(i == _NBLK - 1)
    def _finish():
        def cv2(v):
            mean = jnp.sum(v) * (1.0 / _M)
            var = jnp.sum((v - mean) ** 2) * (1.0 / (_M - 1))
            return var / (mean * mean + 1e-10)

        total = (cv2(imp_ref[...]) + cv2(load_ref[...])) * 0.01
        loss_ref[...] = jnp.reshape(total, (1, 1))


def kernel(x, Degraded_feature, w_gate_x, w_noise_x, w_gate_text,
           w_noise_text, logit_weight_param):
    del w_noise_x, w_noise_text
    x2 = x.reshape(_B, _D)
    param = jnp.asarray(logit_weight_param, jnp.float32).reshape(1, 1)

    gates, loss = pl.pallas_call(
        _router_kernel,
        grid=(_NBLK,),
        in_specs=[
            pl.BlockSpec((1, 1), lambda i: (0, 0)),
            pl.BlockSpec((_BR, _D), lambda i: (i, 0)),
            pl.BlockSpec((_BR, _D), lambda i: (i, 0)),
            pl.BlockSpec((_D, _M), lambda i: (0, 0)),
            pl.BlockSpec((_D, _M), lambda i: (0, 0)),
        ],
        out_specs=[
            pl.BlockSpec((_BR, _M), lambda i: (i, 0)),
            pl.BlockSpec((1, 1), lambda i: (0, 0)),
        ],
        out_shape=[
            jax.ShapeDtypeStruct((_B, _M), jnp.float32),
            jax.ShapeDtypeStruct((1, 1), jnp.float32),
        ],
        scratch_shapes=[
            pltpu.VMEM((1, _M), jnp.float32),
            pltpu.VMEM((1, _M), jnp.float32),
        ],
    )(param, x2, Degraded_feature, w_gate_x, w_gate_text)

    return (gates, loss.reshape(()))

# --- scband reference (transcript-rebuilt; emitter-appended) ---
"""Pipeline reference for scband-gating-fusion-mo-egate-33981781246238 (READ-ONLY COPY).

The authoritative reference and input builder live on the scoring server;
editing this copy changes nothing except your own understanding.
"""

import jax, jax.numpy as jnp
import numpy as np

M = 64
K = 8
D_X = 2048
D_TEXT = 2048
B = 4096


def setup_inputs(seed: int = 0) -> dict:
    key = jax.random.key(seed)
    k1, k2, k3, k4 = jax.random.split(key, 4)
    x = jax.random.normal(k1, (B, D_X, 1, 1), dtype=jnp.float32)
    Degraded_feature = jax.random.normal(k2, (B, D_TEXT), dtype=jnp.float32)
    # Learned parameters (module inits them to zeros; use small random gate weights
    # so top-k is non-degenerate; noise weights kept at zeros as in the module init)
    w_gate_x = jax.random.normal(k3, (D_X, M), dtype=jnp.float32) * 0.02
    w_gate_text = jax.random.normal(k4, (D_TEXT, M), dtype=jnp.float32) * 0.02
    w_noise_x = jnp.zeros((D_X, M), dtype=jnp.float32)
    w_noise_text = jnp.zeros((D_TEXT, M), dtype=jnp.float32)
    logit_weight_param = jnp.array(0.0, dtype=jnp.float32)
    return {
        "x": x,
        "Degraded_feature": Degraded_feature,
        "w_gate_x": w_gate_x,
        "w_noise_x": w_noise_x,
        "w_gate_text": w_gate_text,
        "w_noise_text": w_noise_text,
        "logit_weight_param": logit_weight_param,
    }


def _cv_squared(v):
    eps = 1e-10
    v = v.astype(jnp.float32)
    variance = jnp.var(v, ddof=1)
    mean_squared = jnp.mean(v) ** 2
    return variance / (mean_squared + eps)


def reference(x, Degraded_feature, w_gate_x, w_noise_x, w_gate_text, w_noise_text, logit_weight_param):
    # Eval-mode (deterministic) path: training=False so noisy gating is bypassed.
    loss_coef = 0.01
    batch_size = x.shape[0]
    # AdaptiveAvgPool2d((1,1)) + flatten
    x_pooled = jnp.mean(x, axis=(2, 3))
    clean_logits_x = x_pooled @ w_gate_x
    clean_logits_text = Degraded_feature @ w_gate_text
    noisy_logits_x = clean_logits_x
    noisy_logits_text = clean_logits_text
    alpha = jax.nn.sigmoid(logit_weight_param)
    beta = 1.0 - alpha
    final_noisy_logits = alpha * noisy_logits_x + beta * noisy_logits_text
    logits = final_noisy_logits
    num_experts_to_consider = min(K + 1, M)
    top_logits, top_indices = jax.lax.top_k(logits, num_experts_to_consider)
    top_k_logits = top_logits[:, :K]
    top_k_indices = top_indices[:, :K]
    top_k_gates = jax.nn.softmax(top_k_logits, axis=1)
    rows = jnp.arange(batch_size)[:, None]
    gates = jnp.zeros((batch_size, M), dtype=logits.dtype).at[rows, top_k_indices].set(top_k_gates)
    importance = gates.sum(axis=0)
    # eval path: load from gates
    load = (gates > 0).sum(axis=0)
    loss = _cv_squared(importance) + _cv_squared(load)
    moe_loss = loss * loss_coef
    return (gates, moe_loss)

if __name__ == "__main__":
    import jax
    _d = setup_inputs()
    print(jax.jit(kernel)(*tuple(_d.values())))

</pallas_src>

<mosaic_0001>
module attributes {stable_mosaic.version = 14 : i64} {
  func.func @_router_kernel(%arg0: i32, %arg1: memref<1x1xf32, #tpu.memory_space<vmem>>, %arg2: memref<512x2048xf32, #tpu.memory_space<vmem>>, %arg3: memref<512x2048xf32, #tpu.memory_space<vmem>>, %arg4: memref<2048x64xf32, #tpu.memory_space<vmem>>, %arg5: memref<2048x64xf32, #tpu.memory_space<vmem>>, %arg6: memref<512x64xf32, #tpu.memory_space<vmem>>, %arg7: memref<1x1xf32, #tpu.memory_space<vmem>>, %arg8: memref<1x64xf32, #tpu.memory_space<vmem>>, %arg9: memref<1x64xf32, #tpu.memory_space<vmem>>) attributes {dimension_semantics = [#tpu.dimension_semantics<arbitrary>], iteration_bounds = array<i64: 8>, scalar_prefetch = 0 : i64, scratch_operands = 2 : i64, tpu.core_type = #tpu.core_type<tc>, window_params = [{pipeline_mode = #tpu.pipeline_mode<synchronous>, transform_indices = @transform_0, window_bounds = array<i64: 1, 1>}, {transform_indices = @transform_1, window_bounds = array<i64: 512, 2048>}, {transform_indices = @transform_2, window_bounds = array<i64: 512, 2048>}, {pipeline_mode = #tpu.pipeline_mode<synchronous>, transform_indices = @transform_3, window_bounds = array<i64: 2048, 64>}, {pipeline_mode = #tpu.pipeline_mode<synchronous>, transform_indices = @transform_4, window_bounds = array<i64: 2048, 64>}, {transform_indices = @transform_5, window_bounds = array<i64: 512, 64>}, {pipeline_mode = #tpu.pipeline_mode<synchronous>, transform_indices = @transform_6, window_bounds = array<i64: 1, 1>}]} {
    %get3A = arith.constant 0 : index
    %get3A_0 = arith.constant 0 : index
    %get3A_1 = vector.load %arg1[%get3A, %get3A_0] : memref<1x1xf32, #tpu.memory_space<vmem>>, vector<1x1xf32>
    %get3A_2 = vector.extract %get3A_1[0, 0] : f32 from vector<1x1xf32>
    %logistic3A = arith.negf %get3A_2 : f32
    %logistic3A_3 = math.exp %logistic3A : f32
    %logistic3A_4 = arith.constant 1.000000e+00 : f32
    %logistic3A_5 = arith.addf %logistic3A_4, %logistic3A_3 : f32
    %logistic3A_6 = arith.divf %logistic3A_4, %logistic3A_5 : f32
    %sub3A = arith.constant 1.000000e+00 : f32
    %sub3A_7 = arith.subf %sub3A, %logistic3A_6 : f32
    %get3A_8 = arith.constant 0 : index
    %get3A_9 = arith.constant 0 : index
    %get3A_10 = vector.load %arg2[%get3A_8, %get3A_9] : memref<512x2048xf32, #tpu.memory_space<vmem>>, vector<512x2048xf32>
    %get3A_11 = arith.constant 0 : index
    %get3A_12 = arith.constant 0 : index
    %get3A_13 = vector.load %arg4[%get3A_11, %get3A_12] : memref<2048x64xf32, #tpu.memory_space<vmem>>, vector<2048x64xf32>
    %dot_general3A = arith.constant dense<0.000000e+00> : vector<512x64xf32>
    %dot_general3A_14 = tpu.matmul %get3A_10, %get3A_13, %dot_general3A {dimension_numbers = #tpu.dot_dimension_numbers<[1], [0], [0], [1], [0, 0, 1, 1], [], []>, transpose_lhs_hint = false} : vector<512x2048xf32>, vector<2048x64xf32>, vector<512x64xf32> -> vector<512x64xf32>
    %get3A_15 = arith.constant 0 : index
    %get3A_16 = arith.constant 0 : index
    %get3A_17 = vector.load %arg3[%get3A_15, %get3A_16] : memref<512x2048xf32, #tpu.memory_space<vmem>>, vector<512x2048xf32>
    %get3A_18 = arith.constant 0 : index
    %get3A_19 = arith.constant 0 : index
    %get3A_20 = vector.load %arg5[%get3A_18, %get3A_19] : memref<2048x64xf32, #tpu.memory_space<vmem>>, vector<2048x64xf32>
    %dot_general3A_21 = arith.constant dense<0.000000e+00> : vector<512x64xf32>
    %dot_general3A_22 = tpu.matmul %get3A_17, %get3A_20, %dot_general3A_21 {dimension_numbers = #tpu.dot_dimension_numbers<[1], [0], [0], [1], [0, 0, 1, 1], [], []>, transpose_lhs_hint = false} : vector<512x2048xf32>, vector<2048x64xf32>, vector<512x64xf32> -> vector<512x64xf32>
    %mul3A = vector.broadcast %logistic3A_6 : f32 to vector<512x64xf32>
    %mul3A_23 = arith.mulf %mul3A, %dot_general3A_14 : vector<512x64xf32>
    %mul3A_24 = vector.broadcast %sub3A_7 : f32 to vector<512x64xf32>
    %mul3A_25 = arith.mulf %mul3A_24, %dot_general3A_22 : vector<512x64xf32>
    %add3A = arith.addf %mul3A_23, %mul3A_25 : vector<512x64xf32>
    %iota3A = tpu.iota {dimensions = array<i32: 1>} : vector<512x64xi32>
    %broadcast_in_dim3A = arith.constant false
    %broadcast_in_dim3A_26 = vector.broadcast %broadcast_in_dim3A : i1 to vector<512x64xi1>
    %reduce_max3A = arith.constant dense<0xFF800000> : vector<512xf32>
    %reduce_max3A_27 = vector.multi_reduction <maximumf>, %add3A, %reduce_max3A [1] : vector<512x64xf32> to vector<512xf32>
    %broadcast_in_dim3A_28 = vector.shape_cast %reduce_max3A_27 : vector<512xf32> to vector<512x1xf32>
    %eq3A = vector.broadcast %broadcast_in_dim3A_28 : vector<512x1xf32> to vector<512x64xf32>
    %eq3A_29 = arith.cmpf oeq, %add3A, %eq3A : vector<512x64xf32>
    %jit3A = arith.constant 64 : i32
    %broadcast_in_dim3A_30 = vector.broadcast %jit3A : i32 to vector<512x64xi32>
    %select_n3A = arith.select %eq3A_29, %iota3A, %broadcast_in_dim3A_30 : vector<512x64xi1>, vector<512x64xi32>
    %reduce_min3A = arith.constant dense<2147483647> : vector<512xi32>
    %reduce_min3A_31 = vector.multi_reduction <minsi>, %select_n3A, %reduce_min3A [1] : vector<512x64xi32> to vector<512xi32>
    %broadcast_in_dim3A_32 = vector.shape_cast %reduce_min3A_31 : vector<512xi32> to vector<512x1xi32>
    %eq3A_33 = vector.broadcast %broadcast_in_dim3A_32 : vector<512x1xi32> to vector<512x64xi32>
    %eq3A_34 = arith.cmpi eq, %iota3A, %eq3A_33 : vector<512x64xi32>
    %or3A = arith.ori %broadcast_in_dim3A_26, %eq3A_34 : vector<512x64xi1>
    %jit3A_35 = arith.constant 0xFF800000 : f32
    %broadcast_in_dim3A_36 = vector.broadcast %jit3A_35 : f32 to vector<512x64xf32>
    %select_n3A_37 = arith.select %eq3A_34, %broadcast_in_dim3A_36, %add3A : vector<512x64xi1>, vector<512x64xf32>
    %reduce_max3A_38 = arith.constant dense<0xFF800000> : vector<512xf32>
    %reduce_max3A_39 = vector.multi_reduction <maximumf>, %select_n3A_37, %reduce_max3A_38 [1] : vector<512x64xf32> to vector<512xf32>
    %broadcast_in_dim3A_40 = vector.shape_cast %reduce_max3A_39 : vector<512xf32> to vector<512x1xf32>
    %eq3A_41 = vector.broadcast %broadcast_in_dim3A_40 : vector<512x1xf32> to vector<512x64xf32>
    %eq3A_42 = arith.cmpf oeq, %select_n3A_37, %eq3A_41 : vector<512x64xf32>
    %jit3A_43 = arith.constant 64 : i32
    %broadcast_in_dim3A_44 = vector.broadcast %jit3A_43 : i32 to vector<512x64xi32>
    %select_n3A_45 = arith.select %eq3A_42, %iota3A, %broadcast_in_dim3A_44 : vector<512x64xi1>, vector<512x64xi32>
    %reduce_min3A_46 = arith.constant dense<2147483647> : vector<512xi32>
    %reduce_min3A_47 = vector.multi_reduction <minsi>, %select_n3A_45, %reduce_min3A_46 [1] : vector<512x64xi32> to vector<512xi32>
    %broadcast_in_dim3A_48 = vector.shape_cast %reduce_min3A_47 : vector<512xi32> to vector<512x1xi32>
    %eq3A_49 = vector.broadcast %broadcast_in_dim3A_48 : vector<512x1xi32> to vector<512x64xi32>
    %eq3A_50 = arith.cmpi eq, %iota3A, %eq3A_49 : vector<512x64xi32>
    %or3A_51 = arith.ori %or3A, %eq3A_50 : vector<512x64xi1>
    %jit3A_52 = arith.constant 0xFF800000 : f32
    %broadcast_in_dim3A_53 = vector.broadcast %jit3A_52 : f32 to vector<512x64xf32>
    %select_n3A_54 = arith.select %eq3A_50, %broadcast_in_dim3A_53, %select_n3A_37 : vector<512x64xi1>, vector<512x64xf32>
    %reduce_max3A_55 = arith.constant dense<0xFF800000> : vector<512xf32>
    %reduce_max3A_56 = vector.multi_reduction <maximumf>, %select_n3A_54, %reduce_max3A_55 [1] : vector<512x64xf32> to vector<512xf32>
    %broadcast_in_dim3A_57 = vector.shape_cast %reduce_max3A_56 : vector<512xf32> to vector<512x1xf32>
    %eq3A_58 = vector.broadcast %broadcast_in_dim3A_57 : vector<512x1xf32> to vector<512x64xf32>
    %eq3A_59 = arith.cmpf oeq, %select_n3A_54, %eq3A_58 : vector<512x64xf32>
    %jit3A_60 = arith.constant 64 : i32
    %broadcast_in_dim3A_61 = vector.broadcast %jit3A_60 : i32 to vector<512x64xi32>
    %select_n3A_62 = arith.select %eq3A_59, %iota3A, %broadcast_in_dim3A_61 : vector<512x64xi1>, vector<512x64xi32>
    %reduce_min3A_63 = arith.constant dense<2147483647> : vector<512xi32>
    %reduce_min3A_64 = vector.multi_reduction <minsi>, %select_n3A_62, %reduce_min3A_63 [1] : vector<512x64xi32> to vector<512xi32>
    %broadcast_in_dim3A_65 = vector.shape_cast %reduce_min3A_64 : vector<512xi32> to vector<512x1xi32>
    %eq3A_66 = vector.broadcast %broadcast_in_dim3A_65 : vector<512x1xi32> to vector<512x64xi32>
    %eq3A_67 = arith.cmpi eq, %iota3A, %eq3A_66 : vector<512x64xi32>
    %or3A_68 = arith.ori %or3A_51, %eq3A_67 : vector<512x64xi1>
    %jit3A_69 = arith.constant 0xFF800000 : f32
    %broadcast_in_dim3A_70 = vector.broadcast %jit3A_69 : f32 to vector<512x64xf32>
    %select_n3A_71 = arith.select %eq3A_67, %broadcast_in_dim3A_70, %select_n3A_54 : vector<512x64xi1>, vector<512x64xf32>
    %reduce_max3A_72 = arith.constant dense<0xFF800000> : vector<512xf32>
    %reduce_max3A_73 = vector.multi_reduction <maximumf>, %select_n3A_71, %reduce_max3A_72 [1] : vector<512x64xf32> to vector<512xf32>
    %broadcast_in_dim3A_74 = vector.shape_cast %reduce_max3A_73 : vector<512xf32> to vector<512x1xf32>
    %eq3A_75 = vector.broadcast %broadcast_in_dim3A_74 : vector<512x1xf32> to vector<512x64xf32>
    %eq3A_76 = arith.cmpf oeq, %select_n3A_71, %eq3A_75 : vector<512x64xf32>
    %jit3A_77 = arith.constant 64 : i32
    %broadcast_in_dim3A_78 = vector.broadcast %jit3A_77 : i32 to vector<512x64xi32>
    %select_n3A_79 = arith.select %eq3A_76, %iota3A, %broadcast_in_dim3A_78 : vector<512x64xi1>, vector<512x64xi32>
    %reduce_min3A_80 = arith.constant dense<2147483647> : vector<512xi32>
    %reduce_min3A_81 = vector.multi_reduction <minsi>, %select_n3A_79, %reduce_min3A_80 [1] : vector<512x64xi32> to vector<512xi32>
    %broadcast_in_dim3A_82 = vector.shape_cast %reduce_min3A_81 : vector<512xi32> to vector<512x1xi32>
    %eq3A_83 = vector.broadcast %broadcast_in_dim3A_82 : vector<512x1xi32> to vector<512x64xi32>
    %eq3A_84 = arith.cmpi eq, %iota3A, %eq3A_83 : vector<512x64xi32>
    %or3A_85 = arith.ori %or3A_68, %eq3A_84 : vector<512x64xi1>
    %jit3A_86 = arith.constant 0xFF800000 : f32
    %broadcast_in_dim3A_87 = vector.broadcast %jit3A_86 : f32 to vector<512x64xf32>
    %select_n3A_88 = arith.select %eq3A_84, %broadcast_in_dim3A_87, %select_n3A_71 : vector<512x64xi1>, vector<512x64xf32>
    %reduce_max3A_89 = arith.constant dense<0xFF800000> : vector<512xf32>
    %reduce_max3A_90 = vector.multi_reduction <maximumf>, %select_n3A_88, %reduce_max3A_89 [1] : vector<512x64xf32> to vector<512xf32>
    %broadcast_in_dim3A_91 = vector.shape_cast %reduce_max3A_90 : vector<512xf32> to vector<512x1xf32>
    %eq3A_92 = vector.broadcast %broadcast_in_dim3A_91 : vector<512x1xf32> to vector<512x64xf32>
    %eq3A_93 = arith.cmpf oeq, %select_n3A_88, %eq3A_92 : vector<512x64xf32>
    %jit3A_94 = arith.constant 64 : i32
    %broadcast_in_dim3A_95 = vector.broadcast %jit3A_94 : i32 to vector<512x64xi32>
    %select_n3A_96 = arith.select %eq3A_93, %iota3A, %broadcast_in_dim3A_95 : vector<512x64xi1>, vector<512x64xi32>
    %reduce_min3A_97 = arith.constant dense<2147483647> : vector<512xi32>
    %reduce_min3A_98 = vector.multi_reduction <minsi>, %select_n3A_96, %reduce_min3A_97 [1] : vector<512x64xi32> to vector<512xi32>
    %broadcast_in_dim3A_99 = vector.shape_cast %reduce_min3A_98 : vector<512xi32> to vector<512x1xi32>
    %eq3A_100 = vector.broadcast %broadcast_in_dim3A_99 : vector<512x1xi32> to vector<512x64xi32>
    %eq3A_101 = arith.cmpi eq, %iota3A, %eq3A_100 : vector<512x64xi32>
    %or3A_102 = arith.ori %or3A_85, %eq3A_101 : vector<512x64xi1>
    %jit3A_103 = arith.constant 0xFF800000 : f32
    %broadcast_in_dim3A_104 = vector.broadcast %jit3A_103 : f32 to vector<512x64xf32>
    %select_n3A_105 = arith.select %eq3A_101, %broadcast_in_dim3A_104, %select_n3A_88 : vector<512x64xi1>, vector<512x64xf32>
    %reduce_max3A_106 = arith.constant dense<0xFF800000> : vector<512xf32>
    %reduce_max3A_107 = vector.multi_reduction <maximumf>, %select_n3A_105, %reduce_max3A_106 [1] : vector<512x64xf32> to vector<512xf32>
    %broadcast_in_dim3A_108 = vector.shape_cast %reduce_max3A_107 : vector<512xf32> to vector<512x1xf32>
    %eq3A_109 = vector.broadcast %broadcast_in_dim3A_108 : vector<512x1xf32> to vector<512x64xf32>
    %eq3A_110 = arith.cmpf oeq, %select_n3A_105, %eq3A_109 : vector<512x64xf32>
    %jit3A_111 = arith.constant 64 : i32
    %broadcast_in_dim3A_112 = vector.broadcast %jit3A_111 : i32 to vector<512x64xi32>
    %select_n3A_113 = arith.select %eq3A_110, %iota3A, %broadcast_in_dim3A_112 : vector<512x64xi1>, vector<512x64xi32>
    %reduce_min3A_114 = arith.constant dense<2147483647> : vector<512xi32>
    %reduce_min3A_115 = vector.multi_reduction <minsi>, %select_n3A_113, %reduce_min3A_114 [1] : vector<512x64xi32> to vector<512xi32>
    %broadcast_in_dim3A_116 = vector.shape_cast %reduce_min3A_115 : vector<512xi32> to vector<512x1xi32>
    %eq3A_117 = vector.broadcast %broadcast_in_dim3A_116 : vector<512x1xi32> to vector<512x64xi32>
    %eq3A_118 = arith.cmpi eq, %iota3A, %eq3A_117 : vector<512x64xi32>
    %or3A_119 = arith.ori %or3A_102, %eq3A_118 : vector<512x64xi1>
    %jit3A_120 = arith.constant 0xFF800000 : f32
    %broadcast_in_dim3A_121 = vector.broadcast %jit3A_120 : f32 to vector<512x64xf32>
    %select_n3A_122 = arith.select %eq3A_118, %broadcast_in_dim3A_121, %select_n3A_105 : vector<512x64xi1>, vector<512x64xf32>
    %reduce_max3A_123 = arith.constant dense<0xFF800000> : vector<512xf32>
    %reduce_max3A_124 = vector.multi_reduction <maximumf>, %select_n3A_122, %reduce_max3A_123 [1] : vector<512x64xf32> to vector<512xf32>
    %broadcast_in_dim3A_125 = vector.shape_cast %reduce_max3A_124 : vector<512xf32> to vector<512x1xf32>
    %eq3A_126 = vector.broadcast %broadcast_in_dim3A_125 : vector<512x1xf32> to vector<512x64xf32>
    %eq3A_127 = arith.cmpf oeq, %select_n3A_122, %eq3A_126 : vector<512x64xf32>
    %jit3A_128 = arith.constant 64 : i32
    %broadcast_in_dim3A_129 = vector.broadcast %jit3A_128 : i32 to vector<512x64xi32>
    %select_n3A_130 = arith.select %eq3A_127, %iota3A, %broadcast_in_dim3A_129 : vector<512x64xi1>, vector<512x64xi32>
    %reduce_min3A_131 = arith.constant dense<2147483647> : vector<512xi32>
    %reduce_min3A_132 = vector.multi_reduction <minsi>, %select_n3A_130, %reduce_min3A_131 [1] : vector<512x64xi32> to vector<512xi32>
    %broadcast_in_dim3A_133 = vector.shape_cast %reduce_min3A_132 : vector<512xi32> to vector<512x1xi32>
    %eq3A_134 = vector.broadcast %broadcast_in_dim3A_133 : vector<512x1xi32> to vector<512x64xi32>
    %eq3A_135 = arith.cmpi eq, %iota3A, %eq3A_134 : vector<512x64xi32>
    %or3A_136 = arith.ori %or3A_119, %eq3A_135 : vector<512x64xi1>
    %jit3A_137 = arith.constant 0xFF800000 : f32
    %broadcast_in_dim3A_138 = vector.broadcast %jit3A_137 : f32 to vector<512x64xf32>
    %select_n3A_139 = arith.select %eq3A_135, %broadcast_in_dim3A_138, %select_n3A_122 : vector<512x64xi1>, vector<512x64xf32>
    %reduce_max3A_140 = arith.constant dense<0xFF800000> : vector<512xf32>
    %reduce_max3A_141 = vector.multi_reduction <maximumf>, %select_n3A_139, %reduce_max3A_140 [1] : vector<512x64xf32> to vector<512xf32>
    %broadcast_in_dim3A_142 = vector.shape_cast %reduce_max3A_141 : vector<512xf32> to vector<512x1xf32>
    %eq3A_143 = vector.broadcast %broadcast_in_dim3A_142 : vector<512x1xf32> to vector<512x64xf32>
    %eq3A_144 = arith.cmpf oeq, %select_n3A_139, %eq3A_143 : vector<512x64xf32>
    %jit3A_145 = arith.constant 64 : i32
    %broadcast_in_dim3A_146 = vector.broadcast %jit3A_145 : i32 to vector<512x64xi32>
    %select_n3A_147 = arith.select %eq3A_144, %iota3A, %broadcast_in_dim3A_146 : vector<512x64xi1>, vector<512x64xi32>
    %reduce_min3A_148 = arith.constant dense<2147483647> : vector<512xi32>
    %reduce_min3A_149 = vector.multi_reduction <minsi>, %select_n3A_147, %reduce_min3A_148 [1] : vector<512x64xi32> to vector<512xi32>
    %broadcast_in_dim3A_150 = vector.shape_cast %reduce_min3A_149 : vector<512xi32> to vector<512x1xi32>
    %eq3A_151 = vector.broadcast %broadcast_in_dim3A_150 : vector<512x1xi32> to vector<512x64xi32>
    %eq3A_152 = arith.cmpi eq, %iota3A, %eq3A_151 : vector<512x64xi32>
    %or3A_153 = arith.ori %or3A_136, %eq3A_152 : vector<512x64xi1>
    %sub3A_154 = vector.broadcast %broadcast_in_dim3A_28 : vector<512x1xf32> to vector<512x64xf32>
    %sub3A_155 = arith.subf %add3A, %sub3A_154 : vector<512x64xf32>
    %exp3A = math.exp %sub3A_155 : vector<512x64xf32>
    %jit3A_156 = arith.constant 0.000000e+00 : f32
    %broadcast_in_dim3A_157 = vector.broadcast %jit3A_156 : f32 to vector<512x64xf32>
    %select_n3A_158 = arith.select %or3A_153, %exp3A, %broadcast_in_dim3A_157 : vector<512x64xi1>, vector<512x64xf32>
    %reduce_sum3A = arith.constant dense<0.000000e+00> : vector<512xf32>
    %reduce_sum3A_159 = vector.multi_reduction <add>, %select_n3A_158, %reduce_sum3A [1] : vector<512x64xf32> to vector<512xf32>
    %broadcast_in_dim3A_160 = vector.shape_cast %reduce_sum3A_159 : vector<512xf32> to vector<512x1xf32>
    %div3A = vector.broadcast %broadcast_in_dim3A_160 : vector<512x1xf32> to vector<512x64xf32>
    %div3A_161 = arith.divf %select_n3A_158, %div3A : vector<512x64xf32>
    %swap3A = arith.constant 0 : index
    %swap3A_162 = arith.constant 0 : index
    %swap3A_163 = vector.load %arg6[%swap3A, %swap3A_162] : memref<512x64xf32, #tpu.memory_space<vmem>>, vector<512x64xf32>
    tpu.vector_store %arg6[%swap3A, %swap3A_162], %div3A_161 {strides = array<i32>} : memref<512x64xf32, #tpu.memory_space<vmem>>, vector<512x64xf32>,
    %reduce_sum3A_164 = arith.constant dense<0.000000e+00> : vector<64xf32>
    %reduce_sum3A_165 = vector.multi_reduction <add>, %div3A_161, %reduce_sum3A_164 [0] : vector<512x64xf32> to vector<64xf32>
    %broadcast_in_dim3A_166 = vector.shape_cast %reduce_sum3A_165 : vector<64xf32> to vector<1x64xf32>
    %gt3A = arith.constant 0.000000e+00 : f32
    %gt3A_167 = vector.broadcast %gt3A : f32 to vector<512x64xf32>
    %gt3A_168 = arith.cmpf ogt, %div3A_161, %gt3A_167 : vector<512x64xf32>
    %convert_element_type3A = arith.extui %gt3A_168 : vector<512x64xi1> to vector<512x64xi32>
    %convert_element_type3A_169 = arith.sitofp %convert_element_type3A : vector<512x64xi32> to vector<512x64xf32>
    %reduce_sum3A_170 = arith.constant dense<0.000000e+00> : vector<64xf32>
    %reduce_sum3A_171 = vector.multi_reduction <add>, %convert_element_type3A_169, %reduce_sum3A_170 [0] : vector<512x64xf32> to vector<64xf32>
    %broadcast_in_dim3A_172 = vector.shape_cast %reduce_sum3A_171 : vector<64xf32> to vector<1x64xf32>
    %eq3A_173 = arith.constant 0 : i32
    %eq3A_174 = arith.cmpi eq, %arg0, %eq3A_173 : i32
    %convert_element_type3A_175 = arith.extui %eq3A_174 : i1 to i32
    %cond3A = arith.constant 0 : i32
    %cond3A_176 = arith.cmpi ne, %convert_element_type3A_175, %cond3A : i32
    scf.if %cond3A_176 {
      %swap3A_187 = arith.constant 0 : index
      %swap3A_188 = arith.constant 0 : index
      %swap3A_189 = vector.load %arg8[%swap3A_187, %swap3A_188] : memref<1x64xf32, #tpu.memory_space<vmem>>, vector<1x64xf32>
      tpu.vector_store %arg8[%swap3A_187, %swap3A_188], %broadcast_in_dim3A_166 {strides = array<i32>} : memref<1x64xf32, #tpu.memory_space<vmem>>, vector<1x64xf32>,
      %swap3A_190 = arith.constant 0 : index
      %swap3A_191 = arith.constant 0 : index
      %swap3A_192 = vector.load %arg9[%swap3A_190, %swap3A_191] : memref<1x64xf32, #tpu.memory_space<vmem>>, vector<1x64xf32>
      tpu.vector_store %arg9[%swap3A_190, %swap3A_191], %broadcast_in_dim3A_172 {strides = array<i32>} : memref<1x64xf32, #tpu.memory_space<vmem>>, vector<1x64xf32>,
    } else {
    }
    %gt3A_177 = arith.constant 0 : i32
    %gt3A_178 = arith.cmpi sgt, %arg0, %gt3A_177 : i32
    %convert_element_type3A_179 = arith.extui %gt3A_178 : i1 to i32
    %cond3A_180 = arith.constant 0 : i32
    %cond3A_181 = arith.cmpi ne, %convert_element_type3A_179, %cond3A_180 : i32
    scf.if %cond3A_181 {
      %get3A_187 = arith.constant 0 : index
      %get3A_188 = arith.constant 0 : index
      %get3A_189 = vector.load %arg8[%get3A_187, %get3A_188] : memref<1x64xf32, #tpu.memory_space<vmem>>, vector<1x64xf32>
      %add3A_190 = arith.addf %get3A_189, %broadcast_in_dim3A_166 : vector<1x64xf32>
      %swap3A_191 = arith.constant 0 : index
      %swap3A_192 = arith.constant 0 : index
      %swap3A_193 = vector.load %arg8[%swap3A_191, %swap3A_192] : memref<1x64xf32, #tpu.memory_space<vmem>>, vector<1x64xf32>
      tpu.vector_store %arg8[%swap3A_191, %swap3A_192], %add3A_190 {strides = array<i32>} : memref<1x64xf32, #tpu.memory_space<vmem>>, vector<1x64xf32>,
      %get3A_194 = arith.constant 0 : index
      %get3A_195 = arith.constant 0 : index
      %get3A_196 = vector.load %arg9[%get3A_194, %get3A_195] : memref<1x64xf32, #tpu.memory_space<vmem>>, vector<1x64xf32>
      %add3A_197 = arith.addf %get3A_196, %broadcast_in_dim3A_172 : vector<1x64xf32>
      %swap3A_198 = arith.constant 0 : index
      %swap3A_199 = arith.constant 0 : index
      %swap3A_200 = vector.load %arg9[%swap3A_198, %swap3A_199] : memref<1x64xf32, #tpu.memory_space<vmem>>, vector<1x64xf32>
      tpu.vector_store %arg9[%swap3A_198, %swap3A_199], %add3A_197 {strides = array<i32>} : memref<1x64xf32, #tpu.memory_space<vmem>>, vector<1x64xf32>,
    } else {
    }
    %eq3A_182 = arith.constant 7 : i32
    %eq3A_183 = arith.cmpi eq, %arg0, %eq3A_182 : i32
    %convert_element_type3A_184 = arith.extui %eq3A_183 : i1 to i32
    %cond3A_185 = arith.constant 0 : i32
    %cond3A_186 = arith.cmpi ne, %convert_element_type3A_184, %cond3A_185 : i32
    scf.if %cond3A_186 {
      %get3A_187 = arith.constant 0 : index
      %get3A_188 = arith.constant 0 : index
      %get3A_189 = vector.load %arg8[%get3A_187, %get3A_188] : memref<1x64xf32, #tpu.memory_space<vmem>>, vector<1x64xf32>
      %reduce_sum3A_190 = vector.shape_cast %get3A_189 : vector<1x64xf32> to vector<1x1x64xf32>
      %reduce_sum3A_191 = arith.constant dense<0.000000e+00> : vector<1xf32>
      %reduce_sum3A_192 = vector.multi_reduction <add>, %reduce_sum3A_190, %reduce_sum3A_191 [1, 2] : vector<1x1x64xf32> to vector<1xf32>
      %reduce_sum3A_193 = vector.shape_cast %reduce_sum3A_192 : vector<1xf32> to vector<1x1x1xf32>
      %reduce_sum3A_194 = vector.extract %reduce_sum3A_193[0, 0, 0] : f32 from vector<1x1x1xf32>
      %mul3A_195 = arith.constant 1.562500e-02 : f32
      %mul3A_196 = arith.mulf %reduce_sum3A_194, %mul3A_195 : f32
      %sub3A_197 = vector.broadcast %mul3A_196 : f32 to vector<1x64xf32>
      %sub3A_198 = arith.subf %get3A_189, %sub3A_197 : vector<1x64xf32>
      %integer_pow3A = arith.mulf %sub3A_198, %sub3A_198 : vector<1x64xf32>
      %reduce_sum3A_199 = vector.shape_cast %integer_pow3A : vector<1x64xf32> to vector<1x1x64xf32>
      %reduce_sum3A_200 = arith.constant dense<0.000000e+00> : vector<1xf32>
      %reduce_sum3A_201 = vector.multi_reduction <add>, %reduce_sum3A_199, %reduce_sum3A_200 [1, 2] : vector<1x1x64xf32> to vector<1xf32>
      %reduce_sum3A_202 = vector.shape_cast %reduce_sum3A_201 : vector<1xf32> to vector<1x1x1xf32>
      %reduce_sum3A_203 = vector.extract %reduce_sum3A_202[0, 0, 0] : f32 from vector<1x1x1xf32>
      %mul3A_204 = arith.constant 0.0158730168 : f32
      %mul3A_205 = arith.mulf %reduce_sum3A_203, %mul3A_204 : f32
      %mul3A_206 = arith.mulf %mul3A_196, %mul3A_196 : f32
      %add3A_207 = arith.constant 1.000000e-10 : f32
      %add3A_208 = arith.addf %mul3A_206, %add3A_207 : f32
      %div3A_209 = arith.divf %mul3A_205, %add3A_208 : f32
      %get3A_210 = arith.constant 0 : index
      %get3A_211 = arith.constant 0 : index
      %get3A_212 = vector.load %arg9[%get3A_210, %get3A_211] : memref<1x64xf32, #tpu.memory_space<vmem>>, vector<1x64xf32>
      %reduce_sum3A_213 = vector.shape_cast %get3A_212 : vector<1x64xf32> to vector<1x1x64xf32>
      %reduce_sum3A_214 = arith.constant dense<0.000000e+00> : vector<1xf32>
      %reduce_sum3A_215 = vector.multi_reduction <add>, %reduce_sum3A_213, %reduce_sum3A_214 [1, 2] : vector<1x1x64xf32> to vector<1xf32>
      %reduce_sum3A_216 = vector.shape_cast %reduce_sum3A_215 : vector<1xf32> to vector<1x1x1xf32>
      %reduce_sum3A_217 = vector.extract %reduce_sum3A_216[0, 0, 0] : f32 from vector<1x1x1xf32>
      %mul3A_218 = arith.constant 1.562500e-02 : f32
      %mul3A_219 = arith.mulf %reduce_sum3A_217, %mul3A_218 : f32
      %sub3A_220 = vector.broadcast %mul3A_219 : f32 to vector<1x64xf32>
      %sub3A_221 = arith.subf %get3A_212, %sub3A_220 : vector<1x64xf32>
      %integer_pow3A_222 = arith.mulf %sub3A_221, %sub3A_221 : vector<1x64xf32>
      %reduce_sum3A_223 = vector.shape_cast %integer_pow3A_222 : vector<1x64xf32> to vector<1x1x64xf32>
      %reduce_sum3A_224 = arith.constant dense<0.000000e+00> : vector<1xf32>
      %reduce_sum3A_225 = vector.multi_reduction <add>, %reduce_sum3A_223, %reduce_sum3A_224 [1, 2] : vector<1x1x64xf32> to vector<1xf32>
      %reduce_sum3A_226 = vector.shape_cast %reduce_sum3A_225 : vector<1xf32> to vector<1x1x1xf32>
      %reduce_sum3A_227 = vector.extract %reduce_sum3A_226[0, 0, 0] : f32 from vector<1x1x1xf32>
      %mul3A_228 = arith.constant 0.0158730168 : f32
      %mul3A_229 = arith.mulf %reduce_sum3A_227, %mul3A_228 : f32
      %mul3A_230 = arith.mulf %mul3A_219, %mul3A_219 : f32
      %add3A_231 = arith.constant 1.000000e-10 : f32
      %add3A_232 = arith.addf %mul3A_230, %add3A_231 : f32
      %div3A_233 = arith.divf %mul3A_229, %add3A_232 : f32
      %add3A_234 = arith.addf %div3A_209, %div3A_233 : f32
      %mul3A_235 = arith.constant 0.00999999977 : f32
      %mul3A_236 = arith.mulf %add3A_234, %mul3A_235 : f32
      %reshape3A = vector.broadcast %mul3A_236 : f32 to vector<1x1xf32>
      %swap3A_237 = arith.constant 0 : index
      %swap3A_238 = arith.constant 0 : index
      %swap3A_239 = vector.load %arg7[%swap3A_237, %swap3A_238] : memref<1x1xf32, #tpu.memory_space<vmem>>, vector<1x1xf32>
      tpu.vector_store %arg7[%swap3A_237, %swap3A_238], %reshape3A {strides = array<i32>} : memref<1x1xf32, #tpu.memory_space<vmem>>, vector<1x1xf32>,
    } else {
    }
    return
  }
  func.func @transform_0(%arg0: i32) -> (i32, i32) {
    %c0_i32 = arith.constant 0 : i32
    %c0_i32_0 = arith.constant 0 : i32
    %c0_i32_1 = arith.constant 0 : i32
    return %c0_i32, %c0_i32_0 : i32, i32
  }
  func.func @transform_1(%arg0: i32) -> (i32, i32) {
    %c0_i32 = arith.constant 0 : i32
    %c0_i32_0 = arith.constant 0 : i32
    return %arg0, %c0_i32 : i32, i32
  }
  func.func @transform_2(%arg0: i32) -> (i32, i32) {
    %c0_i32 = arith.constant 0 : i32
    %c0_i32_0 = arith.constant 0 : i32
    return %arg0, %c0_i32 : i32, i32
  }
  func.func @transform_3(%arg0: i32) -> (i32, i32) {
    %c0_i32 = arith.constant 0 : i32
    %c0_i32_0 = arith.constant 0 : i32
    %c0_i32_1 = arith.constant 0 : i32
    return %c0_i32, %c0_i32_0 : i32, i32
  }
  func.func @transform_4(%arg0: i32) -> (i32, i32) {
    %c0_i32 = arith.constant 0 : i32
    %c0_i32_0 = arith.constant 0 : i32
    %c0_i32_1 = arith.constant 0 : i32
    return %c0_i32, %c0_i32_0 : i32, i32
  }
  func.func @transform_5(%arg0: i32) -> (i32, i32) {
    %c0_i32 = arith.constant 0 : i32
    %c0_i32_0 = arith.constant 0 : i32
    return %arg0, %c0_i32 : i32, i32
  }
  func.func @transform_6(%arg0: i32) -> (i32, i32) {
    %c0_i32 = arith.constant 0 : i32
    %c0_i32_0 = arith.constant 0 : i32
    %c0_i32_1 = arith.constant 0 : i32
    return %c0_i32, %c0_i32_0 : i32, i32
  }
}

</mosaic_0001>

<sc_bundles>
// kernel: sparse-core-data-format-call.cloned.1.call-start
scs
called_computation_lowered:
.L_overlay_start_0:
0x0: {  	s2 =	sld [smem:$0x3FD9]  }
0x1: {  	s3 =	sld [smem:$0x3FFE];
	_ =	sdelay $0x1  }
0x2: {  	s1 =	srdreg.scid  }
0x3: {  	s0 =	sand.u32 $0x1, s1  }
0x4: {  	s18 =	sshll.u32 s0, $0xA;
	s2 =	sadd.s32 s3, s2  }
0x5: {  	s2 =	sadd.s32 s2, s18  }
0x6: {  	[smem:$0x3FC3] =	sst s2  }
0x7: {  	_ = 	snop  }
0x8: {  	s2 =	sld [smem:$0x3FC9];
	(tm) =	ssettm $0x1  }
0x9: {  	s19 =	sld [smem:$0x3FFB];
	_ =	sdelay $0x3  }
0xa: {  	_ =	strace s19  }
0xb: {  	s3 =	sld [smem:$0x3FFC];
	_ =	sdelay $0x3  }
0xc: {  	_ =	strace s3  }
0xd: {  	s3 =	sld [smem:$0x3FFD];
	_ =	sdelay $0x3  }
0xe: {  	_ =	strace s3  }
0xf: {  	_ =	strace $0x8FFFFFFF  }
0x10: {  	s20 =	sld [smem:$0x3FDB];
	_ =	sdelay $0x1  }
0x11: {  	s4 =	simm.s32 $_scs_section_size  }
0x12: {  	s5 =	simm.s32 $_size__tile_overlayer_lowered;
	s6 =	simm.s32 $_tile_overlayer_lowered  }
0x13: {  	s23 =	simm.s32 $0x1BFF;
	s22 =	sshll.u32 s6, $0x1;
	s3 =	sadd.s32 s4, s20  }
0x14: {  	s7 =	simm.s32 $0x0;
	s21 =	sshll.u32 s5, $0x1;
	s5 =	sadd.s32 s22, s3  }
0x15: {  	[timem:s7], [sflag:s23] =	dma.local [hbm:s5], s21  }
0x16: {  	_ =	swait.ge [sflag:s23], s21  }
0x17: {  	s4 =	ssub.s32 $0x0, s21;
	[sflag:s23] =	ssyncset.done $0x0  }
0x18: {  	[sflag:s23] =	ssyncadd.s32 s4;
	_ =	sdelay $0x1  }
0x19: {  	s24 =	simm.s32 $0x1B8B  }
0x1a: {  	_ =	swait.ge [sflag:s24], $0x1  }
0x1b: {  	[sflag:s24] =	ssyncset.done $0x0  }
0x1c: {  	s26 =	simm.s32 $0x1B8E;
	s25 =	sld [smem:$0x3FFE];
	[sflag:s24] =	ssyncadd.s32 $0xFFFFFFFF  }
0x1d: {  	s27 =	simm.s32 $execute0_lowered;
	[smem:$0x3FD2] =	sst s26  }
0x1e: {  	s5 =	sshll.u32 s27, $0x1;
	_ =	strace $0x80000046;
	[dreg:$0x1] =	wrdreg $0xFFFFFFFF  }
0x1f: {  	s28 =	simm.s32 $_size_execute0_lowered;
	s3 =	sadd.s32 s3, s5;
	[dreg:$0x0] =	wrdreg $0x0  }
0x20: {  	s5 =	sshll.u32 s28, $0x1;
	[dreg:$0x2] =	wrdreg s3  }
0x21: {  	[dreg:$0x3] =	wrdreg s5  }
0x22: {  	[dreg:$0x4] =	wrdreg $0xC0  }
0x23: {  	_ =	task [dreg:s7], $0x5FFFF  }
0x24: {  	[dreg:$0x1] =	wrdreg $0xFFFFFFFF  }
0x25: {  	[dreg:$0x0] =	wrdreg $0x60  }
0x26: {  	[dreg:$0x2] =	wrdreg s2  }
0x27: {  	[dreg:$0x3] =	wrdreg s25  }
0x28: {  	[dreg:$0x4] =	wrdreg $0x9  }
0x29: {  	_ =	task.clear_ibuf [dreg:s7], $0x5FFFF;
	_ =	strace $0x90000046  }
0x2a: {  	s29 =	simm.s32 $0x9;
	_ =	strace $0x80000048  }
0x2b: {  	_ =	swait.ge [sflag:s29], $0x1  }
0x2c: {  	[sflag:s29] =	ssyncadd.s32 $0xFFFFFFFF  }
0x2d: {  	_ =	strace $0x90000048  }
0x2e: {  	_ =	sfence  }
0x2f: {  	s30 =	sld [smem:$0x0];
	_ =	sdelay $0x2  }
0x30: {  	s31 =	sshll.u32 s1, $0xD;
	s1 =	sshrl.u32 s1, $0x2  }
0x31: {  	s3 =	sand.u32 $0x4000, s31;
	s1 =	sadd.s32 s1, s30  }
0x32: {  	s0 =	sor.u32 s3, s0;
	s1 =	sshll.u32 s1, $0x11  }
0x33: {  	s0 =	sor.u32 s1, s0  }
0x34: {  	s0 =	sadd.s32 $0x8F2B, s0  }
0x35: {  	[sflag:s0] =	ssyncadd.remote.s32 $0x1  }
0x36: {  	_ =	sfence.sel $0xFFFF  }
0x37: {  	[dreg:$0x0] =	wrdreg $0xFFFFFFFF;
	(pc) =	sbr.abs _section_cstart, $3  }
0x38: {  	[dreg:$0x1] =	wrdreg $0xFFFFFFFF  }
0x39: {  	_ =	task.clear_ibuf [dreg:s7], $0x2FFFF;
	_ =	strace $0x9FFFFFFF  }
0x3a: {  	(tm) =	ssettm $0x7FFFFFFF  }
0x3b: {  	_ =	shalt  }
tec
execute0_lowered:
.L_overlay_start_1:
0x0: {  	(tag) =	ssettag $0x1  }
0x1: {  	s0 =	srdreg.scid  }
0x2: {  	s1 =	sshll.u32 s0, $0x4  }
0x3: {  	s2 =	rddreg [dreg:$0x0];
	s0 =	stileid.u32;
	s1 =	sand.u32 $0x10, s1  }
0x4: {  	s4 =	rddreg [dreg:$0x1];
	s7 =	simm.s32 $0x1;
	s1 =	sor.u32 s0, s1  }
0x5: {  	s8 =	simm.s32 $0x2;
	s9 =	simm.s32 $0x0;
	s3 =	sshll.u32 s1, $0x3  }
0x6: {  	s12 =	simm.s32 $0x0;
	s11 =	simm.s32 $0x0;
	s6 =	ssub.s32 $0x1000, s3  }
.Ltmp0:
0x7: {  	s4 =	sadd.s32 $0xA00, s4;
	s5 =	sand.u32 $0xF8, s6;
	(pc) =	sbr.rel .LBB1_1-.Ltmp0, $4  }
0x8: {  	s1 =	rddreg [dreg:$0x2];
	_ =	strace $0x80000047;
	p0 =	sne.s32 s5, $0x0  }
0x9: {  	s6 =	sshrl.u32 s6, $0x8;
	s5 =	simm.s32 $0x1;
	s7 =	simm.s32 @!p0 $0x0  }
0xa: {  	s10 =	smov.u32 s3;
	[sflag:s5] =	ssyncpa.u1 $0x0;
	s6 =	sadd.s32 s7, s6  }
0xb: {  	[sflag:s8] =	ssyncpa.u1 $0x0;
	s8 =	simm.s32 $0x0;
	s7 =	sadd.s32 $0x1, s6  }
.LBB1_7:
0xc: {  	s14 =	sadd.s32 $0x100, s10  }
0xd: {  	p1 =	sgt.s32 s14, $0xFFF  }
0xe: {  	s14 =	smov.u32 @p1 s3;
	p1 =	sne.s32 s11, s7  }
.Ltmp1:
0xf: {  	p0 =	slt.u32 s11, $0x2;
	(pc) =	sbr.rel @!p1 .LBB1_8-.Ltmp1, $4  }
0x10: {  	s13 =	simm.s32 @!p0 $0x2  }
0x11: {  	s15 =	sadd.s32 $0x1, s11;
	_ =	swait.ge @!p0 [sflag:s13], $0x4000  }
0x12: {  	s12 =	smov.u32 s10;
	s9 =	sadd.s32 $0x4000, s9;
	[sflag:s13] =	ssyncset.done @!p0 $0x0  }
0x13: {  	s11 =	smov.u32 s15;
	s10 =	smov.u32 s14;
	[sflag:s13] =	ssyncadd.s32 @!p0 $0xFFFFC000  }
.LBB1_1:
0x14: {  	p0 =	sge.u32 s11, s6  }
0x15: {  	s13 =	sxor.u32 @!p0 $0xFFFFFFFF, s11  }
0x16: {  	s31 =	sadd.s32 $0xFFFFFFFF, s11;
	s14 =	sshll.u32 @!p0 s10, $0x8;
	s13 =	sshll.u32 @!p0 s13, $0xE  }
0x17: {  	s15 =	simm.s32 @!p0 $0x0;
	s14 =	sadd.s32 @!p0 s2, s14;
	s13 =	sand.u32 @!p0 $0x4000, s13  }
0x18: {  	[tilespmem:s13], [sflag:$0x1] =	stream.linear.gather @!p0 [hbm4b:s14+s15], $0x4000, $0x38;
	[tilespmem:$0x10000] =	vst v63  }
0x19: {  	p0 =	sge.u32 s31, s6  }
.Ltmp2:
0x1a: {  	_ = 	snop;
	(pc) =	sbr.rel @p0 .LBB1_7-.Ltmp2, $1  }
0x1b: {  	_ =	sdelay $0x3  }
0x1c: {  	s13 =	sand.u32 $0x4000, s9  }
0x1d: {  	_ =	swait.ge [sflag:s5], $0x4000;
	s16 =	sshll.u32 s11, $0xE;
	s14 =	sor.u32 $0x100, s13  }
0x1e: {  	s15 =	sor.u32 $0x8800, s13;
	[sflag:s5] =	ssyncset.done $0x0;
	s31 =	sand.u32 $0x4000, s16  }
0x1f: {  	s16 =	simm.s32 $0x0;
	[sflag:s5] =	ssyncadd.s32 $0xFFFFC000;
	s13 =	sor.u32 $0x8000, s31  }
.LBB1_3:
0x20: {  	v0 =	vld [tilespmem:s14+$0xF0]  }
0x21: {  	v1 =	vld [tilespmem:s14+$0xFFFFFF10]  }
0x22: {  	v2 =	vld [tilespmem:s14+$0xFFFFFF20]  }
0x23: {  	v3 =	vld [tilespmem:s14+$0xFFFFFF30]  }
0x24: {  	v4 =	vld [tilespmem:s14+$0xFFFFFF40]  }
0x25: {  	v5 =	vld [tilespmem:s14+$0xFFFFFF50];
	[tilespmem:s15+$0x470] =	vst v0  }
0x26: {  	[tilespmem:s15+$0xFFFFF810] =	vst v1;
	v0 =	vld [tilespmem:s14+$0xFFFFFF60]  }
0x27: {  	[tilespmem:s15+$0xFFFFF820] =	vst v2;
	v1 =	vld [tilespmem:s14+$0xFFFFFF70]  }
0x28: {  	[tilespmem:s15+$0xFFFFF830] =	vst v3;
	v2 =	vld [tilespmem:s14+$0xFFFFFF80]  }
0x29: {  	[tilespmem:s15+$0xFFFFF840] =	vst v4;
	v3 =	vld [tilespmem:s14+$0xFFFFFF90]  }
0x2a: {  	[tilespmem:s15+$0xFFFFF850] =	vst v5;
	v4 =	vld [tilespmem:s14+$0xFFFFFFA0]  }
0x2b: {  	v5 =	vld [tilespmem:s14+$0xA0];
	[tilespmem:s15+$0xFFFFF860] =	vst v0  }
0x2c: {  	v0 =	vld [tilespmem:s14+$0xFFFFFFB0];
	[tilespmem:s15+$0xFFFFF870] =	vst v1  }
0x2d: {  	v1 =	vld [tilespmem:s14+$0xFFFFFFC0];
	[tilespmem:s15+$0xFFFFFC00] =	vst v2  }
0x2e: {  	[tilespmem:s15+$0xFFFFFC10] =	vst v3;
	v3 =	vld [tilespmem:s14+$0xFFFFFFE0]  }
0x2f: {  	[tilespmem:s15+$0xFFFFFC20] =	vst v4;
	v4 =	vld [tilespmem:s14+$0xFFFFFFF0]  }
0x30: {  	v2 =	vld [tilespmem:s14+$0xFFFFFFD0];
	[tilespmem:s15+$0x420] =	vst v5  }
0x31: {  	[tilespmem:s15+$0xFFFFFC30] =	vst v0;
	v0 =	vld [tilespmem:s14+$0x0]  }
0x32: {  	[tilespmem:s15+$0xFFFFFC40] =	vst v1;
	v1 =	vld [tilespmem:s14+$0x10]  }
0x33: {  	[tilespmem:s15+$0xFFFFFC60] =	vst v3;
	v3 =	vld [tilespmem:s14+$0x30]  }
0x34: {  	[tilespmem:s15+$0xFFFFFC70] =	vst v4;
	v4 =	vld [tilespmem:s14+$0x40]  }
0x35: {  	[tilespmem:s15+$0xFFFFFC50] =	vst v2;
	v2 =	vld [tilespmem:s14+$0x20]  }
0x36: {  	[tilespmem:s15+$0x0] =	vst v0;
	v0 =	vld [tilespmem:s14+$0x50]  }
0x37: {  	[tilespmem:s15+$0x10] =	vst v1;
	v1 =	vld [tilespmem:s14+$0x60]  }
0x38: {  	[tilespmem:s15+$0x30] =	vst v3;
	v3 =	vld [tilespmem:s14+$0x80]  }
0x39: {  	[tilespmem:s15+$0x40] =	vst v4;
	v4 =	vld [tilespmem:s14+$0x90]  }
0x3a: {  	[tilespmem:s15+$0x20] =	vst v2;
	v2 =	vld [tilespmem:s14+$0x70]  }
0x3b: {  	[tilespmem:s15+$0x50] =	vst v0;
	v0 =	vld [tilespmem:s14+$0xB0]  }
0x3c: {  	[tilespmem:s15+$0x60] =	vst v1;
	v1 =	vld [tilespmem:s14+$0xC0]  }
0x3d: {  	[tilespmem:s15+$0x400] =	vst v3;
	v3 =	vld [tilespmem:s14+$0xD0]  }
0x3e: {  	[tilespmem:s15+$0x410] =	vst v4;
	v4 =	vld [tilespmem:s14+$0xE0]  }
0x3f: {  	s18 =	simm.s32 $0x0;
	s19 =	sadd.s32 $0x200, s14;
	s17 =	smov.u32 s15;
	[tilespmem:s15+$0x70] =	vst v2;
	v2 =	vld [tilespmem:s14+$0xFFFFFF00]  }
.LBB1_4:
0x40: {  	v5 =	vld [tilespmem:s19+$0xF0];
	s18 =	sadd.s32 $0x200, s18;
	[tilespmem:s17+$0x430] =	vst v0  }
0x41: {  	v0 =	vld [tilespmem:s19+$0xFFFFFF10];
	p0 =	slt.u32 s18, $0x600;
	[tilespmem:s17+$0x440] =	vst v1  }
0x42: {  	v1 =	vld [tilespmem:s19+$0xFFFFFF20];
	[tilespmem:s17+$0x450] =	vst v3  }
0x43: {  	v3 =	vld [tilespmem:s19+$0xFFFFFF30];
	[tilespmem:s17+$0x460] =	vst v4  }
0x44: {  	v4 =	vld [tilespmem:s19+$0xFFFFFF40];
	[tilespmem:s17+$0xFFFFF800] =	vst v2;
	s17 =	sadd.s32 $0x1000, s17  }
0x45: {  	v2 =	vld [tilespmem:s19+$0xFFFFFF50];
	[tilespmem:s17+$0x470] =	vst v5  }
0x46: {  	[tilespmem:s17+$0xFFFFF810] =	vst v0;
	v0 =	vld [tilespmem:s19+$0xFFFFFF60]  }
0x47: {  	[tilespmem:s17+$0xFFFFF820] =	vst v1;
	v1 =	vld [tilespmem:s19+$0xFFFFFF70]  }
0x48: {  	[tilespmem:s17+$0xFFFFF830] =	vst v3;
	v3 =	vld [tilespmem:s19+$0xFFFFFF80]  }
0x49: {  	[tilespmem:s17+$0xFFFFF840] =	vst v4;
	v4 =	vld [tilespmem:s19+$0xFFFFFF90]  }
0x4a: {  	[tilespmem:s17+$0xFFFFF850] =	vst v2;
	v2 =	vld [tilespmem:s19+$0xFFFFFFA0]  }
0x4b: {  	[tilespmem:s17+$0xFFFFF860] =	vst v0;
	v0 =	vld [tilespmem:s19+$0xFFFFFFB0]  }
0x4c: {  	[tilespmem:s17+$0xFFFFF870] =	vst v1;
	v1 =	vld [tilespmem:s19+$0xFFFFFFC0]  }
0x4d: {  	[tilespmem:s17+$0xFFFFFC00] =	vst v3;
	v3 =	vld [tilespmem:s19+$0xFFFFFFD0]  }
0x4e: {  	[tilespmem:s17+$0xFFFFFC10] =	vst v4;
	v4 =	vld [tilespmem:s19+$0xFFFFFFE0]  }
0x4f: {  	[tilespmem:s17+$0xFFFFFC20] =	vst v2;
	v2 =	vld [tilespmem:s19+$0xFFFFFFF0]  }
0x50: {  	[tilespmem:s17+$0xFFFFFC30] =	vst v0;
	v0 =	vld [tilespmem:s19+$0x0]  }
0x51: {  	[tilespmem:s17+$0xFFFFFC40] =	vst v1;
	v1 =	vld [tilespmem:s19+$0x10]  }
0x52: {  	[tilespmem:s17+$0xFFFFFC50] =	vst v3;
	v3 =	vld [tilespmem:s19+$0x20]  }
0x53: {  	[tilespmem:s17+$0xFFFFFC60] =	vst v4;
	v4 =	vld [tilespmem:s19+$0x30]  }
0x54: {  	[tilespmem:s17+$0xFFFFFC70] =	vst v2;
	v2 =	vld [tilespmem:s19+$0x40]  }
0x55: {  	[tilespmem:s17+$0x0] =	vst v0;
	v0 =	vld [tilespmem:s19+$0x50]  }
0x56: {  	[tilespmem:s17+$0x10] =	vst v1;
	v1 =	vld [tilespmem:s19+$0x60]  }
0x57: {  	[tilespmem:s17+$0x20] =	vst v3;
	v3 =	vld [tilespmem:s19+$0x70]  }
0x58: {  	[tilespmem:s17+$0x30] =	vst v4;
	v4 =	vld [tilespmem:s19+$0x80]  }
0x59: {  	[tilespmem:s17+$0x40] =	vst v2;
	v2 =	vld [tilespmem:s19+$0x90]  }
0x5a: {  	[tilespmem:s17+$0x50] =	vst v0;
	v5 =	vld [tilespmem:s19+$0xA0]  }
.Ltmp3:
0x5b: {  	[tilespmem:s17+$0x60] =	vst v1;
	v0 =	vld [tilespmem:s19+$0xB0];
	(pc) =	sbr.rel @p0 .LBB1_4-.Ltmp3, $4  }
0x5c: {  	[tilespmem:s17+$0x70] =	vst v3;
	v1 =	vld [tilespmem:s19+$0xC0]  }
0x5d: {  	[tilespmem:s17+$0x400] =	vst v4;
	v3 =	vld [tilespmem:s19+$0xD0]  }
0x5e: {  	[tilespmem:s17+$0x410] =	vst v2;
	v4 =	vld [tilespmem:s19+$0xE0]  }
0x5f: {  	v2 =	vld [tilespmem:s19+$0xFFFFFF00];
	[tilespmem:s17+$0x420] =	vst v5;
	s19 =	sadd.s32 $0x200, s19  }
0x60: {  	s16 =	sadd.s32 $0x1, s16  }
0x61: {  	p0 =	sne.s32 s16, $0x8  }
.Ltmp4:
0x62: {  	[tilespmem:s17+$0x430] =	vst v0;
	(pc) =	sbr.rel @p0 .LBB1_3-.Ltmp4, $4  }
0x63: {  	[tilespmem:s17+$0x440] =	vst v1  }
0x64: {  	[tilespmem:s17+$0x450] =	vst v3  }
0x65: {  	[tilespmem:s17+$0x460] =	vst v4  }
0x66: {  	s14 =	sadd.s32 $0x800, s14;
	s15 =	sadd.s32 $0x80, s15;
	[tilespmem:s17+$0xFFFFF800] =	vst v2  }
.Ltmp5:
0x67: {  	s14 =	sshll.u32 s12, $0x4;
	(pc) =	sbr.rel .LBB1_7-.Ltmp5, $4  }
0x68: {  	s31 =	sshll.u32 s12, $0x8;
	s14 =	sand.u32 $0x70, s14  }
0x69: {  	s12 =	sand.u32 $0xFF800, s31;
	s14 =	sadd.s32 s4, s14  }
0x6a: {  	s12 =	sadd.s32 s12, s14  }
0x6b: {  	[hbm4b:s12+s8] =	stream.linear.scatter [tilespmem:s13], [sflag:$0x2], $0x4000, $0x38;
	[tilespmem:$0x10000] =	vst v63  }
.LBB1_8:
0x6c: {  	_ =	sfence.sel $0x180000  }
0x6d: {  	s2 =	simm.s32 $0x1;
	[bflag:$0x0] =	sbarrier.arrive $0xFFFF  }
0x6e: {  	s31 =	simm.s32 $0x2;
	[sflag:s2] =	ssyncpa.u1 $0x1  }
0x6f: {  	[sflag:s31] =	ssyncpa.u1 $0x1  }
0x70: {  	p0 =	sne.s32 s0, $0x0;
	_ =	strace $0x90000047  }
0x71: {  	s0 =	sadd.s32 @!p0 $0x100000, s1;
	[bflag:$0x2] =	sbarrier.arrive $0xFFFF  }
0x72: {  	[sflag:s0] =	ssyncadd.tile.s32 @!p0 $0x1;
	_ =	shalt  }
.Lfunc_end1:
_tile_overlayer_lowered:
.L_overlay_start_2:
0x73: {  	(tag) =	ssettag $0x2  }
0x74: {  	s0 =	rddreg [dreg:$0x0];
	s2 =	stileid.u32  }
0x75: {  	s1 =	rddreg [dreg:$0x1];
	p0 =	sne.s32 s2, $0x0  }
0x76: {  	s3 =	rddreg [dreg:$0x2];
	[bflag:$0x3] =	sbarrier.arrive $0xFFFF;
	s2 =	simm.s32 @!p0 $0x1C01  }
0x77: {  	[timem:s3], [sflag:s2] =	dma.local @!p0 [hbm:s0], s1  }
0x78: {  	s0 =	simm.s32 @!p0 $0x1  }
0x79: {  	_ =	swait.ge @!p0 [sflag:s0], s1  }
0x7a: {  	s1 =	ssub.s32 @!p0 $0x0, s1;
	[sflag:s0] =	ssyncset.done @!p0 $0x0  }
0x7b: {  	[sflag:s0] =	ssyncadd.s32 @!p0 s1  }
0x7c: {  	[bflag:$0x3] =	sbarrier.arrive $0xFFFF  }
0x7d: {  	_ =	shalt  }

</sc_bundles>
